<compile_context>
chip_gen: v7x
topology: tpu7x:2x2x1
jax: 0.10.2.dev20260603
libtpu: 0.0.44.dev20260713+nightly
codegen_flags: <defaults>
</compile_context>

<pallas_src>
import functools

import jax
import jax.numpy as jnp
from jax import lax
from jax.experimental import pallas as pl
from jax.experimental.pallas import tpu as pltpu
from jax.experimental.pallas import tpu_sc as plsc

B = 4096
NF = 128
H1 = 1024
H2 = 512
BT = 1024
NS_PAD = 32
NCHUNK = 1


@functools.lru_cache(maxsize=None)
def _make_gather2(n):
    info = plsc.get_sparse_core_info()
    nc, ns = info.num_cores, info.num_subcores
    nw = nc * ns
    bpw = n // nw

    mesh = plsc.VectorSubcoreMesh(core_axis_name="c", subcore_axis_name="s")

    @functools.partial(
        pl.kernel,
        mesh=mesh,
        out_type=[jax.ShapeDtypeStruct((n, NF), jnp.float32) for _ in range(2)],
        scratch_types=[
            pltpu.VMEM((bpw,), jnp.int32),
            pltpu.VMEM((bpw,), jnp.int32),
            pltpu.VMEM((bpw, NF), jnp.float32),
            pltpu.VMEM((bpw, NF), jnp.float32),
            pltpu.SemaphoreType.DMA,
            pltpu.SemaphoreType.DMA,
            pltpu.SemaphoreType.DMA,
        ],
    )
    def gather2(ut, nt, ui, ni, xu, xn,
                idx_u, idx_n, rows_u, rows_n, sem_u, sem_n, sem_w):
        wid = lax.axis_index("s") * nc + lax.axis_index("c")
        base = wid * bpw
        iu = pltpu.async_copy(ui.at[pl.ds(base, bpw)], idx_u, sem_u)
        inn = pltpu.async_copy(ni.at[pl.ds(base, bpw)], idx_n, sem_n)
        iu.wait()
        inn.wait()
        cu = pltpu.async_copy(ut.at[idx_u], rows_u, sem_u)
        cn = pltpu.async_copy(nt.at[idx_n], rows_n, sem_n)
        cu.wait()
        wu = pltpu.async_copy(rows_u, xu.at[pl.ds(base, bpw)], sem_w)
        cn.wait()
        wn = pltpu.async_copy(rows_n, xn.at[pl.ds(base, bpw)], sem_w)
        wu.wait()
        wn.wait()

    return gather2


def _mlp_body(xu, xn, idx4, w1, spad, b1, w2, b2, wfct, scal, out, p):
    @pl.when(pl.program_id(0) == 0)
    def _():
        p[...] = lax.dot_general(spad[...], w1[2 * NF:6 * NF, :],
                                 (((1,), (0,)), ((), ())),
                                 preferred_element_type=jnp.float32
                                 ).astype(jnp.bfloat16)

    x2 = jnp.concatenate([xu[...], xn[...]], axis=1).astype(jnp.bfloat16)
    h = lax.dot_general(x2, w1[0:2 * NF, :], (((1,), (0,)), ((), ())),
                        preferred_element_type=jnp.float32)
    rows = lax.broadcasted_iota(jnp.int32, (NS_PAD, BT), 0)
    oht = ((rows == idx4[0:1, :]) | (rows == (idx4[1:2, :] + 2)) |
           (rows == (idx4[2:3, :] + 7)) | (rows == (idx4[3:4, :] + 17)))
    h = h + lax.dot_general(oht.astype(jnp.bfloat16), p[...],
                            (((0,), (0,)), ((), ())),
                            preferred_element_type=jnp.float32)
    h = jnp.maximum(h + b1[...], 0.0).astype(jnp.bfloat16)
    h = lax.dot_general(h, w2[...], (((1,), (0,)), ((), ())),
                        preferred_element_type=jnp.float32)
    h = jnp.maximum(h + b2[...], 0.0)
    z = lax.dot_general(wfct[...], h, (((1,), (1,)), ((), ())),
                        preferred_element_type=jnp.float32) + scal[0, 0]
    sig = 1.0 / (1.0 + jnp.exp(-z))
    mn, mx = scal[0, 1], scal[0, 2]
    out[...] = jnp.reshape(sig * (mx - mn) + mn, (BT // 128, 128))


def _mlp(xu, xn, idx4, W1, spad, b1, W2, b2, WfcT, scal, off, nrows):
    grid = (nrows // BT,)
    emb_spec = pl.BlockSpec((BT, NF), lambda i: (i, 0))
    idx_spec = pl.BlockSpec((4, BT), lambda i, off=off: (0, i + off))
    full = lambda shape: pl.BlockSpec(shape, lambda i: (0,) * len(shape))
    return pl.pallas_call(
        _mlp_body,
        grid=grid,
        in_specs=[
            emb_spec, emb_spec,
            idx_spec,
            full((6 * NF, H1)),
            full((NS_PAD, 4 * NF)),
            full((1, H1)),
            full((H1, H2)),
            full((1, H2)),
            full((1, H2)),
            pl.BlockSpec(memory_space=pltpu.SMEM),
        ],
        out_specs=pl.BlockSpec((BT // 128, 128), lambda i: (i, 0)),
        out_shape=jax.ShapeDtypeStruct((nrows // 128, 128), jnp.float32),
        scratch_shapes=[pltpu.VMEM((NS_PAD, H1), jnp.bfloat16)],
        compiler_params=pltpu.CompilerParams(
            dimension_semantics=("arbitrary",)),
    )(xu, xn, idx4, W1, spad, b1, W2, b2, WfcT, scal)


def kernel(users, news, gender, age, occupation, address,
           user_table, news_table, gender_table, age_table,
           occupation_table, address_table,
           W1, b1, W2, b2, Wfc, bfc,
           min_rating=0.5, max_rating=5.0):
    nrows = B // NCHUNK
    gather = _make_gather2(nrows)
    ui = users.astype(jnp.int32)
    ni = news.astype(jnp.int32)
    chunks = [gather(user_table, news_table,
                     ui[c * nrows:(c + 1) * nrows],
                     ni[c * nrows:(c + 1) * nrows])
              for c in range(NCHUNK)]
    spad = jnp.zeros((NS_PAD, 4 * NF), jnp.float32)
    spad = spad.at[0:2, 0:NF].set(gender_table)
    spad = spad.at[2:7, NF:2 * NF].set(age_table)
    spad = spad.at[7:17, 2 * NF:3 * NF].set(occupation_table)
    spad = spad.at[17:23, 3 * NF:4 * NF].set(address_table)
    scal = jnp.stack([
        jnp.asarray(bfc, jnp.float32).reshape(()),
        jnp.asarray(min_rating, jnp.float32).reshape(()),
        jnp.asarray(max_rating, jnp.float32).reshape(()),
    ]).reshape(1, 3)
    idx4 = jnp.stack([gender, age, occupation, address]).astype(jnp.int32)
    w1b = W1.astype(jnp.bfloat16)
    spadb = spad.astype(jnp.bfloat16)
    w2b = W2.astype(jnp.bfloat16)
    b1r = b1.reshape(1, H1)
    b2r = b2.reshape(1, H2)
    wfr = Wfc.reshape(1, H2)
    outs = [_mlp(xu, xn, idx4, w1b, spadb, b1r, w2b, b2r, wfr, scal,
                 c * (nrows // BT), nrows)
            for c, (xu, xn) in enumerate(chunks)]
    return jnp.concatenate(outs, axis=0).reshape(B, 1)

# --- scband reference (transcript-rebuilt; emitter-appended) ---
"""Pipeline reference for scband-feed-forward-embed-nn-7842610283037 (READ-ONLY COPY).

The authoritative reference and input builder live on the scoring server;
editing this copy changes nothing except your own understanding.
"""

import jax, jax.numpy as jnp
import numpy as np

B = 4096
NF = 128
N_USERS = 100000
N_NEWS = 100000
N_GENDERS = 2
N_AGES = 5
N_OCC = 10
N_ADDR = 6
H1 = 1024
H2 = 512


def setup_inputs(seed: int = 0) -> dict:
    key = jax.random.key(seed)
    ks = jax.random.split(key, 18)
    users = jax.random.randint(ks[0], (B,), 0, N_USERS)
    news = jax.random.randint(ks[1], (B,), 0, N_NEWS)
    gender = jax.random.randint(ks[2], (B,), 0, N_GENDERS)
    age = jax.random.randint(ks[3], (B,), 0, N_AGES)
    occupation = jax.random.randint(ks[4], (B,), 0, N_OCC)
    address = jax.random.randint(ks[5], (B,), 0, N_ADDR)
    user_table = jax.random.normal(ks[6], (N_USERS, NF), dtype=jnp.float32)
    news_table = jax.random.normal(ks[7], (N_NEWS, NF), dtype=jnp.float32)
    gender_table = jax.random.normal(ks[8], (N_GENDERS, NF), dtype=jnp.float32)
    age_table = jax.random.normal(ks[9], (N_AGES, NF), dtype=jnp.float32)
    occupation_table = jax.random.normal(ks[10], (N_OCC, NF), dtype=jnp.float32)
    address_table = jax.random.normal(ks[11], (N_ADDR, NF), dtype=jnp.float32)
    W1 = jax.random.normal(ks[12], (NF * 6, H1), dtype=jnp.float32) * (1.0 / np.sqrt(NF * 6))
    b1 = jnp.zeros((H1,), dtype=jnp.float32)
    W2 = jax.random.normal(ks[13], (H1, H2), dtype=jnp.float32) * (1.0 / np.sqrt(H1))
    b2 = jnp.zeros((H2,), dtype=jnp.float32)
    Wfc = jax.random.normal(ks[14], (H2, 1), dtype=jnp.float32) * (1.0 / np.sqrt(H2))
    bfc = jnp.zeros((1,), dtype=jnp.float32)
    return {
        "users": users, "news": news, "gender": gender, "age": age,
        "occupation": occupation, "address": address,
        "user_table": user_table, "news_table": news_table,
        "gender_table": gender_table, "age_table": age_table,
        "occupation_table": occupation_table, "address_table": address_table,
        "W1": W1, "b1": b1, "W2": W2, "b2": b2, "Wfc": Wfc, "bfc": bfc,
        "min_rating": jnp.asarray(0.5, dtype=jnp.float32),
        "max_rating": jnp.asarray(5.0, dtype=jnp.float32),
    }


def reference(users, news, gender, age, occupation, address,
              user_table, news_table, gender_table, age_table,
              occupation_table, address_table,
              W1, b1, W2, b2, Wfc, bfc,
              min_rating=0.5, max_rating=5.0):
    user_embeds = jnp.take(user_table, users, axis=0)
    news_embeds = jnp.take(news_table, news, axis=0)
    gender_embeds = jnp.take(gender_table, gender, axis=0)
    age_embeds = jnp.take(age_table, age, axis=0)
    occupation_embeds = jnp.take(occupation_table, occupation, axis=0)
    address_embeds = jnp.take(address_table, address, axis=0)
    concat = jnp.concatenate([user_embeds, news_embeds, gender_embeds,
                              age_embeds, occupation_embeds, address_embeds], axis=1)
    # hidden layers: Linear -> ReLU -> Dropout(eval: identity), twice
    h = jax.nn.relu(concat @ W1 + b1)
    h = jax.nn.relu(h @ W2 + b2)
    # extra F.relu in forward (no-op after ReLU, kept for faithfulness)
    x = jax.nn.relu(h)
    out = jax.nn.sigmoid(x @ Wfc + bfc)
    out = out * (max_rating - min_rating) + min_rating
    return out

if __name__ == "__main__":
    import jax
    _d = setup_inputs()
    print(jax.jit(kernel)(*tuple(_d.values())))

</pallas_src>

<mosaic_0001>
#map = affine_map<(d0, d1) -> (0, 0)>
#map1 = affine_map<(d0, d1) -> (0)>
module attributes {stable_mosaic.version = 14 : i64} {
  func.func @gather2(%arg0: i32, %arg1: i32, %arg2: memref<100000x128xf32, #tpu.memory_space<hbm>>, %arg3: memref<100000x128xf32, #tpu.memory_space<hbm>>, %arg4: memref<4096xi32, #tpu.memory_space<hbm>>, %arg5: memref<4096xi32, #tpu.memory_space<hbm>>, %arg6: memref<4096x128xf32, #tpu.memory_space<hbm>>, %arg7: memref<4096x128xf32, #tpu.memory_space<hbm>>, %arg8: memref<128xi32, #tpu.memory_space<vmem>>, %arg9: memref<128xi32, #tpu.memory_space<vmem>>, %arg10: memref<128x128xf32, #tpu.memory_space<vmem>>, %arg11: memref<128x128xf32, #tpu.memory_space<vmem>>, %arg12: memref<!tpu.dma_semaphore, #tpu.memory_space<semaphore_mem>>, %arg13: memref<!tpu.dma_semaphore, #tpu.memory_space<semaphore_mem>>, %arg14: memref<!tpu.dma_semaphore, #tpu.memory_space<semaphore_mem>>) attributes {dimension_semantics = [#tpu.dimension_semantics<core_parallel>, #tpu.dimension_semantics<subcore_parallel>], iteration_bounds = array<i64: 2, 16>, scalar_prefetch = 0 : i64, scratch_operands = 7 : i64, tpu.core_type = #tpu.core_type<sc_vector_subcore>, window_params = [{transform_indices = #map}, {transform_indices = #map}, {transform_indices = #map1}, {transform_indices = #map1}, {transform_indices = #map}, {transform_indices = #map}]} {
    %mul3A = arith.constant 2 : i32
    %mul3A_0 = arith.muli %arg1, %mul3A : i32
    %add3A = arith.addi %mul3A_0, %arg0 : i32
    %mul3A_1 = arith.constant 128 : i32
    %mul3A_2 = arith.muli %add3A, %mul3A_1 : i32
    %dma_start3A = tpu.memref_slice %arg4[%mul3A_2] : memref<4096xi32, #tpu.memory_space<hbm>> -> memref<128xi32, #tpu.memory_space<hbm>>
    %dma_start3A_3 = tpu.memref_slice %arg4[%mul3A_2] : memref<4096xi32, #tpu.memory_space<hbm>> -> memref<128xi32, #tpu.memory_space<hbm>>
    tpu.enqueue_dma source(%dma_start3A_3 : memref<128xi32, #tpu.memory_space<hbm>>) target(%arg8 : memref<128xi32, #tpu.memory_space<vmem>>) target_semaphore(%arg12 : memref<!tpu.dma_semaphore, #tpu.memory_space<semaphore_mem>>)
    %dma_start3A_4 = tpu.memref_slice %arg5[%mul3A_2] : memref<4096xi32, #tpu.memory_space<hbm>> -> memref<128xi32, #tpu.memory_space<hbm>>
    %dma_start3A_5 = tpu.memref_slice %arg5[%mul3A_2] : memref<4096xi32, #tpu.memory_space<hbm>> -> memref<128xi32, #tpu.memory_space<hbm>>
    tpu.enqueue_dma source(%dma_start3A_5 : memref<128xi32, #tpu.memory_space<hbm>>) target(%arg9 : memref<128xi32, #tpu.memory_space<vmem>>) target_semaphore(%arg13 : memref<!tpu.dma_semaphore, #tpu.memory_space<semaphore_mem>>)
    %dma_wait3A = tpu.memref_slice %arg4[%mul3A_2] : memref<4096xi32, #tpu.memory_space<hbm>> -> memref<128xi32, #tpu.memory_space<hbm>>
    %dma_wait3A_6 = tpu.memref_slice %arg4[%mul3A_2] : memref<4096xi32, #tpu.memory_space<hbm>> -> memref<128xi32, #tpu.memory_space<hbm>>
    tpu.wait_dma2 semaphore(%arg12 : memref<!tpu.dma_semaphore, #tpu.memory_space<semaphore_mem>>) src(%dma_wait3A_6 : memref<128xi32, #tpu.memory_space<hbm>>) dst(%arg8 : memref<128xi32, #tpu.memory_space<vmem>>)
    %dma_wait3A_7 = tpu.memref_slice %arg5[%mul3A_2] : memref<4096xi32, #tpu.memory_space<hbm>> -> memref<128xi32, #tpu.memory_space<hbm>>
    %dma_wait3A_8 = tpu.memref_slice %arg5[%mul3A_2] : memref<4096xi32, #tpu.memory_space<hbm>> -> memref<128xi32, #tpu.memory_space<hbm>>
    tpu.wait_dma2 semaphore(%arg13 : memref<!tpu.dma_semaphore, #tpu.memory_space<semaphore_mem>>) src(%dma_wait3A_8 : memref<128xi32, #tpu.memory_space<hbm>>) dst(%arg9 : memref<128xi32, #tpu.memory_space<vmem>>)
    %dma_start3A_9 = arith.constant 0 : i32
    %dma_start3A_10 = arith.constant 0 : i32
    %dma_start3A_11 = tpu.memref_slice %arg2[%dma_start3A_9, %dma_start3A_10] : memref<100000x128xf32, #tpu.memory_space<hbm>> -> memref<100000x128xf32, #tpu.memory_space<hbm>>
    tpu.enqueue_indirect_dma source(%dma_start3A_11 : memref<100000x128xf32, #tpu.memory_space<hbm>>) target(%arg10 : memref<128x128xf32, #tpu.memory_space<vmem>>) offsets(%arg8 : memref<128xi32, #tpu.memory_space<vmem>>) semaphore(%arg12 : memref<!tpu.dma_semaphore, #tpu.memory_space<semaphore_mem>>)
    %dma_start3A_12 = arith.constant 0 : i32
    %dma_start3A_13 = arith.constant 0 : i32
    %dma_start3A_14 = tpu.memref_slice %arg3[%dma_start3A_12, %dma_start3A_13] : memref<100000x128xf32, #tpu.memory_space<hbm>> -> memref<100000x128xf32, #tpu.memory_space<hbm>>
    tpu.enqueue_indirect_dma source(%dma_start3A_14 : memref<100000x128xf32, #tpu.memory_space<hbm>>) target(%arg11 : memref<128x128xf32, #tpu.memory_space<vmem>>) offsets(%arg9 : memref<128xi32, #tpu.memory_space<vmem>>) semaphore(%arg13 : memref<!tpu.dma_semaphore, #tpu.memory_space<semaphore_mem>>)
    %dma_wait3A_15 = arith.constant 0 : i32
    %dma_wait3A_16 = arith.constant 0 : i32
    %dma_wait3A_17 = tpu.memref_slice %arg2[%dma_wait3A_15, %dma_wait3A_16] : memref<100000x128xf32, #tpu.memory_space<hbm>> -> memref<100000x128xf32, #tpu.memory_space<hbm>>
    tpu.wait_indirect_dma semaphore(%arg12 : memref<!tpu.dma_semaphore, #tpu.memory_space<semaphore_mem>>) src(%dma_wait3A_17 : memref<100000x128xf32, #tpu.memory_space<hbm>>) dst(%arg10 : memref<128x128xf32, #tpu.memory_space<vmem>>)
    %dma_start3A_18 = arith.constant 0 : i32
    %dma_start3A_19 = tpu.memref_slice %arg6[%mul3A_2, %dma_start3A_18] : memref<4096x128xf32, #tpu.memory_space<hbm>> -> memref<128x128xf32, #tpu.memory_space<hbm>>
    %dma_start3A_20 = arith.constant 0 : i32
    %dma_start3A_21 = tpu.memref_slice %arg6[%mul3A_2, %dma_start3A_20] : memref<4096x128xf32, #tpu.memory_space<hbm>> -> memref<128x128xf32, #tpu.memory_space<hbm>>
    tpu.enqueue_dma source(%arg10 : memref<128x128xf32, #tpu.memory_space<vmem>>) target(%dma_start3A_21 : memref<128x128xf32, #tpu.memory_space<hbm>>) target_semaphore(%arg14 : memref<!tpu.dma_semaphore, #tpu.memory_space<semaphore_mem>>)
    %dma_wait3A_22 = arith.constant 0 : i32
    %dma_wait3A_23 = arith.constant 0 : i32
    %dma_wait3A_24 = tpu.memref_slice %arg3[%dma_wait3A_22, %dma_wait3A_23] : memref<100000x128xf32, #tpu.memory_space<hbm>> -> memref<100000x128xf32, #tpu.memory_space<hbm>>
    tpu.wait_indirect_dma semaphore(%arg13 : memref<!tpu.dma_semaphore, #tpu.memory_space<semaphore_mem>>) src(%dma_wait3A_24 : memref<100000x128xf32, #tpu.memory_space<hbm>>) dst(%arg11 : memref<128x128xf32, #tpu.memory_space<vmem>>)
    %dma_start3A_25 = arith.constant 0 : i32
    %dma_start3A_26 = tpu.memref_slice %arg7[%mul3A_2, %dma_start3A_25] : memref<4096x128xf32, #tpu.memory_space<hbm>> -> memref<128x128xf32, #tpu.memory_space<hbm>>
    %dma_start3A_27 = arith.constant 0 : i32
    %dma_start3A_28 = tpu.memref_slice %arg7[%mul3A_2, %dma_start3A_27] : memref<4096x128xf32, #tpu.memory_space<hbm>> -> memref<128x128xf32, #tpu.memory_space<hbm>>
    tpu.enqueue_dma source(%arg11 : memref<128x128xf32, #tpu.memory_space<vmem>>) target(%dma_start3A_28 : memref<128x128xf32, #tpu.memory_space<hbm>>) target_semaphore(%arg14 : memref<!tpu.dma_semaphore, #tpu.memory_space<semaphore_mem>>)
    %dma_wait3A_29 = arith.constant 0 : i32
    %dma_wait3A_30 = tpu.memref_slice %arg6[%mul3A_2, %dma_wait3A_29] : memref<4096x128xf32, #tpu.memory_space<hbm>> -> memref<128x128xf32, #tpu.memory_space<hbm>>
    %dma_wait3A_31 = arith.constant 0 : i32
    %dma_wait3A_32 = tpu.memref_slice %arg6[%mul3A_2, %dma_wait3A_31] : memref<4096x128xf32, #tpu.memory_space<hbm>> -> memref<128x128xf32, #tpu.memory_space<hbm>>
    tpu.wait_dma2 semaphore(%arg14 : memref<!tpu.dma_semaphore, #tpu.memory_space<semaphore_mem>>) src(%arg10 : memref<128x128xf32, #tpu.memory_space<vmem>>) dst(%dma_wait3A_32 : memref<128x128xf32, #tpu.memory_space<hbm>>)
    %dma_wait3A_33 = arith.constant 0 : i32
    %dma_wait3A_34 = tpu.memref_slice %arg7[%mul3A_2, %dma_wait3A_33] : memref<4096x128xf32, #tpu.memory_space<hbm>> -> memref<128x128xf32, #tpu.memory_space<hbm>>
    %dma_wait3A_35 = arith.constant 0 : i32
    %dma_wait3A_36 = tpu.memref_slice %arg7[%mul3A_2, %dma_wait3A_35] : memref<4096x128xf32, #tpu.memory_space<hbm>> -> memref<128x128xf32, #tpu.memory_space<hbm>>
    tpu.wait_dma2 semaphore(%arg14 : memref<!tpu.dma_semaphore, #tpu.memory_space<semaphore_mem>>) src(%arg11 : memref<128x128xf32, #tpu.memory_space<vmem>>) dst(%dma_wait3A_36 : memref<128x128xf32, #tpu.memory_space<hbm>>)
    return
  }
}

module attributes {stable_mosaic.version = 14 : i64} {
  func.func @_mlp_body(%arg0: i32, %arg1: memref<1024x128xf32, #tpu.memory_space<vmem>>, %arg2: memref<1024x128xf32, #tpu.memory_space<vmem>>, %arg3: memref<4x1024xi32, #tpu.memory_space<vmem>>, %arg4: memref<768x1024xbf16, #tpu.memory_space<vmem>>, %arg5: memref<32x512xbf16, #tpu.memory_space<vmem>>, %arg6: memref<1x1024xf32, #tpu.memory_space<vmem>>, %arg7: memref<1024x512xbf16, #tpu.memory_space<vmem>>, %arg8: memref<1x512xf32, #tpu.memory_space<vmem>>, %arg9: memref<1x512xf32, #tpu.memory_space<vmem>>, %arg10: memref<1x3xf32, #tpu.memory_space<smem>>, %arg11: memref<8x128xf32, #tpu.memory_space<vmem>>, %arg12: memref<32x1024xbf16, #tpu.memory_space<vmem>>) attributes {dimension_semantics = [#tpu.dimension_semantics<arbitrary>], iteration_bounds = array<i64: 4>, scalar_prefetch = 0 : i64, scratch_operands = 1 : i64, tpu.core_type = #tpu.core_type<tc>, window_params = [{transform_indices = @transform_0, window_bounds = array<i64: 1024, 128>}, {transform_indices = @transform_1, window_bounds = array<i64: 1024, 128>}, {transform_indices = @transform_2, window_bounds = array<i64: 4, 1024>}, {pipeline_mode = #tpu.pipeline_mode<synchronous>, transform_indices = @transform_3, window_bounds = array<i64: 768, 1024>}, {pipeline_mode = #tpu.pipeline_mode<synchronous>, transform_indices = @transform_4, window_bounds = array<i64: 32, 512>}, {pipeline_mode = #tpu.pipeline_mode<synchronous>, transform_indices = @transform_5, window_bounds = array<i64: 1, 1024>}, {pipeline_mode = #tpu.pipeline_mode<synchronous>, transform_indices = @transform_6, window_bounds = array<i64: 1024, 512>}, {pipeline_mode = #tpu.pipeline_mode<synchronous>, transform_indices = @transform_7, window_bounds = array<i64: 1, 512>}, {pipeline_mode = #tpu.pipeline_mode<synchronous>, transform_indices = @transform_8, window_bounds = array<i64: 1, 512>}, {transform_indices = @transform_9, window_bounds = array<i64: 1, 3>}, {transform_indices = @transform_10, window_bounds = array<i64: 8, 128>}]} {
    %eq3A = arith.constant 0 : i32
    %eq3A_0 = arith.cmpi eq, %arg0, %eq3A : i32
    %convert_element_type3A = arith.extui %eq3A_0 : i1 to i32
    %cond3A = arith.constant 0 : i32
    %cond3A_1 = arith.cmpi ne, %convert_element_type3A, %cond3A : i32
    scf.if %cond3A_1 {
      %get3A_100 = arith.constant 0 : index
      %get3A_101 = arith.constant 0 : index
      %get3A_102 = vector.load %arg5[%get3A_100, %get3A_101] : memref<32x512xbf16, #tpu.memory_space<vmem>>, vector<32x512xbf16>
      %get3A_103 = arith.constant 256 : index
      %get3A_104 = arith.constant 0 : index
      %get3A_105 = vector.load %arg4[%get3A_103, %get3A_104] : memref<768x1024xbf16, #tpu.memory_space<vmem>>, vector<512x1024xbf16>
      %dot_general3A_106 = arith.constant dense<0.000000e+00> : vector<32x1024xf32>
      %dot_general3A_107 = tpu.matmul %get3A_102, %get3A_105, %dot_general3A_106 {dimension_numbers = #tpu.dot_dimension_numbers<[1], [0], [0], [1], [0, 0, 1, 1], [], []>, transpose_lhs_hint = false} : vector<32x512xbf16>, vector<512x1024xbf16>, vector<32x1024xf32> -> vector<32x1024xf32>
      %convert_element_type3A_108 = arith.truncf %dot_general3A_107 : vector<32x1024xf32> to vector<32x1024xbf16>
      %swap3A_109 = arith.constant 0 : index
      %swap3A_110 = arith.constant 0 : index
      %swap3A_111 = vector.load %arg12[%swap3A_109, %swap3A_110] : memref<32x1024xbf16, #tpu.memory_space<vmem>>, vector<32x1024xbf16>
      tpu.vector_store %arg12[%swap3A_109, %swap3A_110], %convert_element_type3A_108 {strides = array<i32>} : memref<32x1024xbf16, #tpu.memory_space<vmem>>, vector<32x1024xbf16>,
    } else {
    }
    %get3A = arith.constant 0 : index
    %get3A_2 = arith.constant 0 : index
    %get3A_3 = vector.load %arg1[%get3A, %get3A_2] : memref<1024x128xf32, #tpu.memory_space<vmem>>, vector<1024x128xf32>
    %get3A_4 = arith.constant 0 : index
    %get3A_5 = arith.constant 0 : index
    %get3A_6 = vector.load %arg2[%get3A_4, %get3A_5] : memref<1024x128xf32, #tpu.memory_space<vmem>>, vector<1024x128xf32>
    %concatenate3A = tpu.concatenate %get3A_3, %get3A_6 in 1 : vector<1024x128xf32>, vector<1024x128xf32> -> vector<1024x256xf32>
    %convert_element_type3A_7 = arith.truncf %concatenate3A : vector<1024x256xf32> to vector<1024x256xbf16>
    %get3A_8 = arith.constant 0 : index
    %get3A_9 = arith.constant 0 : index
    %get3A_10 = vector.load %arg4[%get3A_8, %get3A_9] : memref<768x1024xbf16, #tpu.memory_space<vmem>>, vector<256x1024xbf16>
    %dot_general3A = arith.constant dense<0.000000e+00> : vector<1024x1024xf32>
    %dot_general3A_11 = tpu.matmul %convert_element_type3A_7, %get3A_10, %dot_general3A {dimension_numbers = #tpu.dot_dimension_numbers<[1], [0], [0], [1], [0, 0, 1, 1], [], []>, transpose_lhs_hint = false} : vector<1024x256xbf16>, vector<256x1024xbf16>, vector<1024x1024xf32> -> vector<1024x1024xf32>
    %iota3A = tpu.iota {dimensions = array<i32: 0>} : vector<32x1024xi32>
    %get3A_12 = arith.constant 0 : index
    %get3A_13 = arith.constant 0 : index
    %get3A_14 = vector.load %arg3[%get3A_12, %get3A_13] : memref<4x1024xi32, #tpu.memory_space<vmem>>, vector<1x1024xi32>
    %eq3A_15 = vector.broadcast %get3A_14 : vector<1x1024xi32> to vector<32x1024xi32>
    %eq3A_16 = arith.cmpi eq, %iota3A, %eq3A_15 : vector<32x1024xi32>
    %get3A_17 = arith.constant 1 : index
    %get3A_18 = arith.constant 0 : index
    %get3A_19 = vector.load %arg3[%get3A_17, %get3A_18] : memref<4x1024xi32, #tpu.memory_space<vmem>>, vector<1x1024xi32>
    %add3A = arith.constant 2 : i32
    %add3A_20 = vector.broadcast %add3A : i32 to vector<1x1024xi32>
    %add3A_21 = arith.addi %get3A_19, %add3A_20 : vector<1x1024xi32>
    %eq3A_22 = vector.broadcast %add3A_21 : vector<1x1024xi32> to vector<32x1024xi32>
    %eq3A_23 = arith.cmpi eq, %iota3A, %eq3A_22 : vector<32x1024xi32>
    %or3A = arith.ori %eq3A_16, %eq3A_23 : vector<32x1024xi1>
    %get3A_24 = arith.constant 2 : index
    %get3A_25 = arith.constant 0 : index
    %get3A_26 = vector.load %arg3[%get3A_24, %get3A_25] : memref<4x1024xi32, #tpu.memory_space<vmem>>, vector<1x1024xi32>
    %add3A_27 = arith.constant 7 : i32
    %add3A_28 = vector.broadcast %add3A_27 : i32 to vector<1x1024xi32>
    %add3A_29 = arith.addi %get3A_26, %add3A_28 : vector<1x1024xi32>
    %eq3A_30 = vector.broadcast %add3A_29 : vector<1x1024xi32> to vector<32x1024xi32>
    %eq3A_31 = arith.cmpi eq, %iota3A, %eq3A_30 : vector<32x1024xi32>
    %or3A_32 = arith.ori %or3A, %eq3A_31 : vector<32x1024xi1>
    %get3A_33 = arith.constant 3 : index
    %get3A_34 = arith.constant 0 : index
    %get3A_35 = vector.load %arg3[%get3A_33, %get3A_34] : memref<4x1024xi32, #tpu.memory_space<vmem>>, vector<1x1024xi32>
    %add3A_36 = arith.constant 17 : i32
    %add3A_37 = vector.broadcast %add3A_36 : i32 to vector<1x1024xi32>
    %add3A_38 = arith.addi %get3A_35, %add3A_37 : vector<1x1024xi32>
    %eq3A_39 = vector.broadcast %add3A_38 : vector<1x1024xi32> to vector<32x1024xi32>
    %eq3A_40 = arith.cmpi eq, %iota3A, %eq3A_39 : vector<32x1024xi32>
    %or3A_41 = arith.ori %or3A_32, %eq3A_40 : vector<32x1024xi1>
    %convert_element_type3A_42 = arith.extui %or3A_41 : vector<32x1024xi1> to vector<32x1024xi32>
    %convert_element_type3A_43 = arith.sitofp %convert_element_type3A_42 : vector<32x1024xi32> to vector<32x1024xf32>
    %convert_element_type3A_44 = arith.truncf %convert_element_type3A_43 : vector<32x1024xf32> to vector<32x1024xbf16>
    %get3A_45 = arith.constant 0 : index
    %get3A_46 = arith.constant 0 : index
    %get3A_47 = vector.load %arg12[%get3A_45, %get3A_46] : memref<32x1024xbf16, #tpu.memory_space<vmem>>, vector<32x1024xbf16>
    %dot_general3A_48 = arith.constant dense<0.000000e+00> : vector<1024x1024xf32>
    %dot_general3A_49 = tpu.matmul %convert_element_type3A_44, %get3A_47, %dot_general3A_48 {dimension_numbers = #tpu.dot_dimension_numbers<[0], [0], [1], [1], [0, 1, 1, 1], [], []>, transpose_lhs_hint = false} : vector<32x1024xbf16>, vector<32x1024xbf16>, vector<1024x1024xf32> -> vector<1024x1024xf32>
    %add3A_50 = arith.addf %dot_general3A_11, %dot_general3A_49 : vector<1024x1024xf32>
    %get3A_51 = arith.constant 0 : index
    %get3A_52 = arith.constant 0 : index
    %get3A_53 = vector.load %arg6[%get3A_51, %get3A_52] : memref<1x1024xf32, #tpu.memory_space<vmem>>, vector<1x1024xf32>
    %add3A_54 = vector.broadcast %get3A_53 : vector<1x1024xf32> to vector<1024x1024xf32>
    %add3A_55 = arith.addf %add3A_50, %add3A_54 : vector<1024x1024xf32>
    %max3A = arith.constant 0.000000e+00 : f32
    %max3A_56 = vector.broadcast %max3A : f32 to vector<1024x1024xf32>
    %max3A_57 = arith.maximumf %add3A_55, %max3A_56 : vector<1024x1024xf32>
    %convert_element_type3A_58 = arith.truncf %max3A_57 : vector<1024x1024xf32> to vector<1024x1024xbf16>
    %get3A_59 = arith.constant 0 : index
    %get3A_60 = arith.constant 0 : index
    %get3A_61 = vector.load %arg7[%get3A_59, %get3A_60] : memref<1024x512xbf16, #tpu.memory_space<vmem>>, vector<1024x512xbf16>
    %dot_general3A_62 = arith.constant dense<0.000000e+00> : vector<1024x512xf32>
    %dot_general3A_63 = tpu.matmul %convert_element_type3A_58, %get3A_61, %dot_general3A_62 {dimension_numbers = #tpu.dot_dimension_numbers<[1], [0], [0], [1], [0, 0, 1, 1], [], []>, transpose_lhs_hint = false} : vector<1024x1024xbf16>, vector<1024x512xbf16>, vector<1024x512xf32> -> vector<1024x512xf32>
    %get3A_64 = arith.constant 0 : index
    %get3A_65 = arith.constant 0 : index
    %get3A_66 = vector.load %arg8[%get3A_64, %get3A_65] : memref<1x512xf32, #tpu.memory_space<vmem>>, vector<1x512xf32>
    %add3A_67 = vector.broadcast %get3A_66 : vector<1x512xf32> to vector<1024x512xf32>
    %add3A_68 = arith.addf %dot_general3A_63, %add3A_67 : vector<1024x512xf32>
    %max3A_69 = arith.constant 0.000000e+00 : f32
    %max3A_70 = vector.broadcast %max3A_69 : f32 to vector<1024x512xf32>
    %max3A_71 = arith.maximumf %add3A_68, %max3A_70 : vector<1024x512xf32>
    %get3A_72 = arith.constant 0 : index
    %get3A_73 = arith.constant 0 : index
    %get3A_74 = vector.load %arg9[%get3A_72, %get3A_73] : memref<1x512xf32, #tpu.memory_space<vmem>>, vector<1x512xf32>
    %dot_general3A_75 = arith.constant dense<0.000000e+00> : vector<1x1024xf32>
    %dot_general3A_76 = tpu.matmul %get3A_74, %max3A_71, %dot_general3A_75 {dimension_numbers = #tpu.dot_dimension_numbers<[1], [1], [0], [0], [0, 0, 1, 0], [], []>, transpose_lhs_hint = false} : vector<1x512xf32>, vector<1024x512xf32>, vector<1x1024xf32> -> vector<1x1024xf32>
    %get3A_77 = arith.constant 0 : index
    %get3A_78 = arith.constant 0 : index
    %get3A_79 = memref.load %arg10[%get3A_77, %get3A_78] : memref<1x3xf32, #tpu.memory_space<smem>>
    %add3A_80 = vector.broadcast %get3A_79 : f32 to vector<1x1024xf32>
    %add3A_81 = arith.addf %dot_general3A_76, %add3A_80 : vector<1x1024xf32>
    %neg3A = arith.constant 0.000000e+00 : f32
    %neg3A_82 = vector.broadcast %neg3A : f32 to vector<1x1024xf32>
    %neg3A_83 = arith.subf %neg3A_82, %add3A_81 : vector<1x1024xf32>
    %exp3A = math.exp %neg3A_83 : vector<1x1024xf32>
    %add3A_84 = arith.constant 1.000000e+00 : f32
    %add3A_85 = vector.broadcast %add3A_84 : f32 to vector<1x1024xf32>
    %add3A_86 = arith.addf %add3A_85, %exp3A : vector<1x1024xf32>
    %div3A = arith.constant 1.000000e+00 : f32
    %div3A_87 = vector.broadcast %div3A : f32 to vector<1x1024xf32>
    %div3A_88 = arith.divf %div3A_87, %add3A_86 : vector<1x1024xf32>
    %get3A_89 = arith.constant 0 : index
    %get3A_90 = arith.constant 1 : index
    %get3A_91 = memref.load %arg10[%get3A_89, %get3A_90] : memref<1x3xf32, #tpu.memory_space<smem>>
    %get3A_92 = arith.constant 0 : index
    %get3A_93 = arith.constant 2 : index
    %get3A_94 = memref.load %arg10[%get3A_92, %get3A_93] : memref<1x3xf32, #tpu.memory_space<smem>>
    %sub3A = arith.subf %get3A_94, %get3A_91 : f32
    %mul3A = vector.broadcast %sub3A : f32 to vector<1x1024xf32>
    %mul3A_95 = arith.mulf %div3A_88, %mul3A : vector<1x1024xf32>
    %add3A_96 = vector.broadcast %get3A_91 : f32 to vector<1x1024xf32>
    %add3A_97 = arith.addf %mul3A_95, %add3A_96 : vector<1x1024xf32>
    %reshape3A = vector.shape_cast %add3A_97 : vector<1x1024xf32> to vector<8x128xf32>
    %swap3A = arith.constant 0 : index
    %swap3A_98 = arith.constant 0 : index
    %swap3A_99 = vector.load %arg11[%swap3A, %swap3A_98] : memref<8x128xf32, #tpu.memory_space<vmem>>, vector<8x128xf32>
    tpu.vector_store %arg11[%swap3A, %swap3A_98], %reshape3A {strides = array<i32>} : memref<8x128xf32, #tpu.memory_space<vmem>>, vector<8x128xf32>,
    return
  }
  func.func @transform_0(%arg0: i32) -> (i32, i32) {
    %c0_i32 = arith.constant 0 : i32
    %c0_i32_0 = arith.constant 0 : i32
    return %arg0, %c0_i32 : i32, i32
  }
  func.func @transform_1(%arg0: i32) -> (i32, i32) {
    %c0_i32 = arith.constant 0 : i32
    %c0_i32_0 = arith.constant 0 : i32
    return %arg0, %c0_i32 : i32, i32
  }
  func.func @transform_2(%arg0: i32) -> (i32, i32) {
    %add3A = arith.constant 0 : i32
    %add3A_0 = arith.addi %arg0, %add3A : i32
    %c0_i32 = arith.constant 0 : i32
    %c0_i32_1 = arith.constant 0 : i32
    return %c0_i32, %add3A_0 : i32, i32
  }
  func.func @transform_3(%arg0: i32) -> (i32, i32) {
    %c0_i32 = arith.constant 0 : i32
    %c0_i32_0 = arith.constant 0 : i32
    %c0_i32_1 = arith.constant 0 : i32
    return %c0_i32, %c0_i32_0 : i32, i32
  }
  func.func @transform_4(%arg0: i32) -> (i32, i32) {
    %c0_i32 = arith.constant 0 : i32
    %c0_i32_0 = arith.constant 0 : i32
    %c0_i32_1 = arith.constant 0 : i32
    return %c0_i32, %c0_i32_0 : i32, i32
  }
  func.func @transform_5(%arg0: i32) -> (i32, i32) {
    %c0_i32 = arith.constant 0 : i32
    %c0_i32_0 = arith.constant 0 : i32
    %c0_i32_1 = arith.constant 0 : i32
    return %c0_i32, %c0_i32_0 : i32, i32
  }
  func.func @transform_6(%arg0: i32) -> (i32, i32) {
    %c0_i32 = arith.constant 0 : i32
    %c0_i32_0 = arith.constant 0 : i32
    %c0_i32_1 = arith.constant 0 : i32
    return %c0_i32, %c0_i32_0 : i32, i32
  }
  func.func @transform_7(%arg0: i32) -> (i32, i32) {
    %c0_i32 = arith.constant 0 : i32
    %c0_i32_0 = arith.constant 0 : i32
    %c0_i32_1 = arith.constant 0 : i32
    return %c0_i32, %c0_i32_0 : i32, i32
  }
  func.func @transform_8(%arg0: i32) -> (i32, i32) {
    %c0_i32 = arith.constant 0 : i32
    %c0_i32_0 = arith.constant 0 : i32
    %c0_i32_1 = arith.constant 0 : i32
    return %c0_i32, %c0_i32_0 : i32, i32
  }
  func.func @transform_9(%arg0: i32) -> (i32, i32) {
    %c0_i32 = arith.constant 0 : i32
    %c0_i32_0 = arith.constant 0 : i32
    %c0_i32_1 = arith.constant 0 : i32
    return %c0_i32, %c0_i32_0 : i32, i32
  }
  func.func @transform_10(%arg0: i32) -> (i32, i32) {
    %c0_i32 = arith.constant 0 : i32
    %c0_i32_0 = arith.constant 0 : i32
    return %arg0, %c0_i32 : i32, i32
  }
}

</mosaic_0001>

<sc_bundles>
// kernel: kernel.4.cloned.1.call-start
scs
__scs_entry_jumppad:
0x0: {  	(pc) =	sbr.rel $0x88, $3  }
0x1: {  	(tag) =	ssettag $0x0;
	lr =	simm.s32 $0x1  }
0x2: {  	[smem:$0x3F8D] =	sst lr;
	_ =	strace $0xD0000000  }
0x3: {  	_ = 	snop  }
0x4: {  	_ = 	snop  }
0x5: {  	_ = 	snop  }
0x6: {  	_ = 	snop  }
0x7: {  	_ = 	snop  }
__scs_overlays_trampoline_lowered:
0x8: {  	[smem:$0x3F9C] =	sst s0  }
0x9: {  	[smem:$0x3F9D] =	sst s1  }
0xa: {  	[smem:$0x3F9E] =	sst s2  }
0xb: {  	[smem:$0x3F9F] =	sst s3  }
0xc: {  	[smem:$0x3FA0] =	sst s4  }
0xd: {  	[smem:$0x3FA1] =	sst s5  }
0xe: {  	[smem:$0x3FA2] =	sst s6  }
0xf: {  	[smem:$0x3FA3] =	sst s7  }
0x10: {  	[smem:$0x3FA4] =	sst s8  }
0x11: {  	[smem:$0x3FA5] =	sst s9;
	s0 =	simm.s32 @!p0 $0x0  }
0x12: {  	s1 =	sld [smem:$0x3F8B];
	s0 =	simm.s32 @p0 $0x1  }
0x13: {  	[smem:$0x3FA6] =	sst s0;
	s0 =	simm.s32 @!p1 $0x0  }
0x14: {  	s2 =	sld [smem:$0x3F8A];
	s0 =	simm.s32 @p1 $0x1  }
0x15: {  	[smem:$0x3FA7] =	sst s0;
	s0 =	simm.s32 @!p2 $0x0  }
0x16: {  	s3 =	sld [smem:$0x3FDB];
	s0 =	simm.s32 @p2 $0x1  }
0x17: {  	s4 =	simm.s32 $0x1BF5;
	[smem:$0x3FA9] =	sst s0  }
0x18: {  	s0 =	sld [smem:$0x3F8C];
	_ =	swait.ge [sflag:s4], $0x0  }
0x19: {  	s7 =	sld [smem:$0x3F8D]  }
0x1a: {  	s8 =	sadd.s32 $0xFFFFE003, lr  }
0x1b: {  	s9 =	sadd.s32 $0xFFFFFEF7, lr;
	s5 =	simm.s32 $0xFFFFFFFF;
	p2 =	slt.u32 s8, $0xFFFFF086  }
0x1c: {  	p1 =	slt.u32 s9, $0xF7A;
	s5 =	simm.s32 @!p2 $0x0  }
0x1d: {  	s5 =	simm.s32 @p1 $0x1;
	p0 =	seq.s32 s7, s2  }
0x1e: {  	s7 =	smul.u32 @!p0 $0xF7A, s2;
	p2 =	seq.s32 @!p0 s5, $0x0  }
0x1f: {  	s9 =	smul.u32 $0xF7A, s1;
	s8 =	simm.s32 @!p0 $0x1BF5;
	p2 =	por !p2, p0  }
0x20: {  	[sflag:s8] =	ssyncset.s32 @!p0 $0xFFFFF086;
	s6 =	sadd.s32 @!p0 s3, s7;
	s7 =	simm.s32 @!p0 $0x108  }
0x21: {  	s3 =	sadd.s32 s3, s9;
	s6 =	sadd.s32 @!p0 $0x88, s6;
	s7 =	simm.s32 @p2 $0x1082  }
0x22: {  	[simem:s7], [sflag:s8] =	dma.local @!p0 [hbm:s6], $0xF7A  }
0x23: {  	s9 =	sor.u32 $0xD0000000, s2;
	s6 =	simm.s32 $0x108;
	_ =	swait.ge @!p0 [sflag:s8], $0x0  }
0x24: {  	s3 =	sadd.s32 $0x88, s3;
	s6 =	simm.s32 @!p1 $0x1082;
	[sflag:s4] =	ssyncset.s32 $0xFFFFF086  }
0x25: {  	[simem:s6], [sflag:s4] =	dma.local [hbm:s3], $0xF7A  }
0x26: {  	[smem:$0x3F8D] =	sst s1;
	(tag) =	ssettag s2;
	_ =	strace s9  }
0x27: {  	s1 =	sld [smem:$0x3F9D]  }
0x28: {  	s2 =	sld [smem:$0x3F9E]  }
0x29: {  	s4 =	sld [smem:$0x3FA0]  }
0x2a: {  	p0 =	seq.s32 s5, $0x0;
	s5 =	sld [smem:$0x3FA1]  }
0x2b: {  	s6 =	sld [smem:$0x3FA2]  }
0x2c: {  	s7 =	sld [smem:$0x3FA3]  }
0x2d: {  	s3 =	simm.s32 $0x108;
	s8 =	sld [smem:$0x3FA4]  }
0x2e: {  	s3 =	simm.s32 @!p0 $0x1082;
	s9 =	sld [smem:$0x3FA5]  }
0x2f: {  	lr =	sadd.s32 s0, s3;
	s0 =	sld [smem:$0x3F9C]  }
0x30: {  	s3 =	sld [smem:$0x3F9F]  }
0x31: {  	[smem:$0x3FA8] =	sst s10  }
0x32: {  	s10 =	sld [smem:$0x3FA6];
	_ =	sdelay $0x3  }
0x33: {  	p0 =	seq.s32 s10, $0x1;
	s10 =	sld [smem:$0x3FA8];
	_ =	sdelay $0x3  }
0x34: {  	[smem:$0x3FA8] =	sst s10  }
0x35: {  	s10 =	sld [smem:$0x3FA7];
	_ =	sdelay $0x3  }
0x36: {  	p1 =	seq.s32 s10, $0x1;
	s10 =	sld [smem:$0x3FA8];
	_ =	sdelay $0x3  }
0x37: {  	[smem:$0x3FA8] =	sst s10  }
0x38: {  	s10 =	sld [smem:$0x3FA9]  }
0x39: {  	_ = 	snop;
	(pc) =	sbr.ind lr, $3  }
0x3a: {  	_ = 	snop  }
0x3b: {  	_ = 	snop  }
0x3c: {  	p2 =	seq.s32 s10, $0x1;
	s10 =	sld [smem:$0x3FA8]  }
0x3d: {  	_ =	shalt  }
0x3e: {  	_ =	shalt  }
0x3f: {  	_ =	shalt  }
0x40: {  	_ =	shalt  }
0x41: {  	_ =	shalt  }
0x42: {  	_ =	shalt  }
0x43: {  	_ =	shalt  }
0x44: {  	_ =	shalt  }
0x45: {  	_ =	shalt  }
0x46: {  	_ =	shalt  }
0x47: {  	_ =	shalt  }
0x48: {  	_ =	shalt  }
0x49: {  	_ =	shalt  }
0x4a: {  	_ =	shalt  }
0x4b: {  	_ =	shalt  }
0x4c: {  	_ =	shalt  }
0x4d: {  	_ =	shalt  }
0x4e: {  	_ =	shalt  }
0x4f: {  	_ =	shalt  }
0x50: {  	_ =	shalt  }
0x51: {  	_ =	shalt  }
0x52: {  	_ =	shalt  }
0x53: {  	_ =	shalt  }
0x54: {  	_ =	shalt  }
0x55: {  	_ =	shalt  }
0x56: {  	_ =	shalt  }
0x57: {  	_ =	shalt  }
0x58: {  	_ =	shalt  }
0x59: {  	_ =	shalt  }
0x5a: {  	_ =	shalt  }
0x5b: {  	_ =	shalt  }
0x5c: {  	_ =	shalt  }
0x5d: {  	_ =	shalt  }
0x5e: {  	_ =	shalt  }
0x5f: {  	_ =	shalt  }
0x60: {  	_ =	shalt  }
0x61: {  	_ =	shalt  }
0x62: {  	_ =	shalt  }
0x63: {  	_ =	shalt  }
0x64: {  	_ =	shalt  }
0x65: {  	_ =	shalt  }
0x66: {  	_ =	shalt  }
0x67: {  	_ =	shalt  }
0x68: {  	_ =	shalt  }
0x69: {  	_ =	shalt  }
0x6a: {  	_ =	shalt  }
0x6b: {  	_ =	shalt  }
0x6c: {  	_ =	shalt  }
0x6d: {  	_ =	shalt  }
0x6e: {  	_ =	shalt  }
0x6f: {  	_ =	shalt  }
0x70: {  	_ =	shalt  }
0x71: {  	_ =	shalt  }
0x72: {  	_ =	shalt  }
0x73: {  	_ =	shalt  }
0x74: {  	_ =	shalt  }
0x75: {  	_ =	shalt  }
0x76: {  	_ =	shalt  }
0x77: {  	_ =	shalt  }
0x78: {  	_ =	shalt  }
0x79: {  	_ =	shalt  }
0x7a: {  	_ =	shalt  }
0x7b: {  	_ =	shalt  }
0x7c: {  	_ =	shalt  }
0x7d: {  	_ =	shalt  }
0x7e: {  	_ =	shalt  }
0x7f: {  	_ =	shalt  }
0x80: {  	_ =	shalt  }
0x81: {  	_ =	shalt  }
0x82: {  	_ =	shalt  }
0x83: {  	_ =	shalt  }
0x84: {  	_ =	shalt  }
0x85: {  	_ =	shalt  }
0x86: {  	_ =	shalt  }
0x87: {  	_ =	shalt  }
.Lfunc_end0:
.L_simem_size_0:
called_computation_lowered:
.L_overlay_start_0:
0x88: {  	s2 =	sld [smem:$0x3FD9]  }
0x89: {  	s3 =	sld [smem:$0x3FFE];
	_ =	sdelay $0x1  }
0x8a: {  	s1 =	srdreg.scid  }
0x8b: {  	s0 =	sand.u32 $0x1, s1  }
0x8c: {  	s17 =	sshll.u32 s0, $0xA;
	s2 =	sadd.s32 s3, s2  }
0x8d: {  	s2 =	sadd.s32 s2, s17  }
0x8e: {  	[smem:$0x3FB4] =	sst s2  }
0x8f: {  	_ = 	snop  }
0x90: {  	s2 =	sld [smem:$0x3FC9]  }
0x91: {  	s18 =	sld [smem:$0x3FC8]  }
0x92: {  	s4 =	sld [smem:$0x3FC3]  }
0x93: {  	s5 =	sld [smem:$0x3FC2];
	(tm) =	ssettm $0x1  }
0x94: {  	s6 =	sld [smem:$0x3FFB];
	_ =	sdelay $0x3  }
0x95: {  	_ =	strace s6  }
0x96: {  	s6 =	sld [smem:$0x3FFC];
	_ =	sdelay $0x3  }
0x97: {  	_ =	strace s6  }
0x98: {  	s6 =	sld [smem:$0x3FFD];
	_ =	sdelay $0x3  }
0x99: {  	_ =	strace s6  }
0x9a: {  	_ =	strace $0x8FFFFFFF  }
0x9b: {  	s19 =	sld [smem:$0x3FDB];
	_ =	sdelay $0x1  }
0x9c: {  	s7 =	simm.s32 $_scs_section_size  }
0x9d: {  	s8 =	simm.s32 $_size__tile_overlayer_lowered;
	s9 =	simm.s32 $_tile_overlayer_lowered  }
0x9e: {  	s22 =	simm.s32 $0x1BFF;
	s21 =	sshll.u32 s9, $0x1;
	s6 =	sadd.s32 s7, s19  }
0x9f: {  	s10 =	simm.s32 $0x0;
	s20 =	sshll.u32 s8, $0x1;
	s8 =	sadd.s32 s21, s6  }
0xa0: {  	[timem:s10], [sflag:s22] =	dma.local [hbm:s8], s20  }
0xa1: {  	_ =	swait.ge [sflag:s22], s20  }
0xa2: {  	s7 =	ssub.s32 $0x0, s20;
	[sflag:s22] =	ssyncset.done $0x0  }
0xa3: {  	[sflag:s22] =	ssyncadd.s32 s7;
	_ =	sdelay $0x1  }
0xa4: {  	s23 =	simm.s32 $0x1B8B  }
0xa5: {  	_ =	swait.ge [sflag:s23], $0x1  }
0xa6: {  	[sflag:s23] =	ssyncset.done $0x0  }
0xa7: {  	s25 =	simm.s32 $0x1B8E;
	s24 =	sld [smem:$0x3FFE];
	[sflag:s23] =	ssyncadd.s32 $0xFFFFFFFF  }
0xa8: {  	s26 =	simm.s32 $execute0_lowered;
	[smem:$0x3FD2] =	sst s25  }
0xa9: {  	s8 =	sshll.u32 s26, $0x1;
	_ =	strace $0x80000046;
	[dreg:$0x1] =	wrdreg $0xFFFFFFFF  }
0xaa: {  	s28 =	simm.s32 $_size_execute0_lowered;
	s6 =	sadd.s32 s6, s8;
	[dreg:$0x0] =	wrdreg $0x0  }
0xab: {  	s8 =	sshll.u32 s28, $0x1;
	[dreg:$0x2] =	wrdreg s6  }
0xac: {  	[dreg:$0x3] =	wrdreg s8  }
0xad: {  	[dreg:$0x4] =	wrdreg $0xC0  }
0xae: {  	_ =	task [dreg:s10], $0x5FFFF  }
0xaf: {  	[dreg:$0x1] =	wrdreg $0xFFFFFFFF  }
0xb0: {  	[dreg:$0x0] =	wrdreg $0x60  }
0xb1: {  	[dreg:$0x2] =	wrdreg s4  }
0xb2: {  	[dreg:$0x3] =	wrdreg s5  }
0xb3: {  	[dreg:$0x4] =	wrdreg s2  }
0xb4: {  	[dreg:$0x5] =	wrdreg s18  }
0xb5: {  	[dreg:$0x6] =	wrdreg s24  }
0xb6: {  	[dreg:$0x7] =	wrdreg $0x9  }
0xb7: {  	_ =	task.clear_ibuf [dreg:s10], $0x8FFFF;
	_ =	strace $0x90000046  }
0xb8: {  	s29 =	simm.s32 $0x9;
	_ =	strace $0x80000048  }
0xb9: {  	_ =	swait.ge [sflag:s29], $0x1  }
0xba: {  	[sflag:s29] =	ssyncadd.s32 $0xFFFFFFFF  }
0xbb: {  	_ =	strace $0x90000048  }
0xbc: {  	_ =	sfence  }
0xbd: {  	s30 =	sld [smem:$0x0];
	_ =	sdelay $0x2  }
0xbe: {  	s31 =	sshll.u32 s1, $0xD;
	s1 =	sshrl.u32 s1, $0x2  }
0xbf: {  	s3 =	sand.u32 $0x4000, s31;
	s1 =	sadd.s32 s1, s30  }
0xc0: {  	s0 =	sor.u32 s3, s0;
	s1 =	sshll.u32 s1, $0x11  }
0xc1: {  	s0 =	sor.u32 s1, s0  }
0xc2: {  	s0 =	sadd.s32 $0x8F2B, s0  }
0xc3: {  	[sflag:s0] =	ssyncadd.remote.s32 $0x1  }
0xc4: {  	_ =	sfence.sel $0xFFFF  }
0xc5: {  	[dreg:$0x0] =	wrdreg $0xFFFFFFFF;
	(pc) =	sbr.abs _section_cstart, $3  }
0xc6: {  	[dreg:$0x1] =	wrdreg $0xFFFFFFFF  }
0xc7: {  	_ =	task.clear_ibuf [dreg:s10], $0x2FFFF;
	_ =	strace $0x9FFFFFFF  }
0xc8: {  	(tm) =	ssettm $0x7FFFFFFF  }
0xc9: {  	_ =	shalt  }
tec
execute0_lowered:
.L_overlay_start_1:
0x0: {  	(tag) =	ssettag $0x1  }
0x1: {  	s1 =	rddreg [dreg:$0x0]  }
0x2: {  	s2 =	rddreg [dreg:$0x1];
	s3 =	srdreg.scid  }
0x3: {  	s5 =	rddreg [dreg:$0x2];
	s0 =	stileid.u32;
	s13 =	sand.u32 $0x1, s3  }
0x4: {  	s6 =	rddreg [dreg:$0x3];
	s7 =	sshll.u32 s0, $0x8;
	s8 =	sshll.u32 s13, $0x7  }
0x5: {  	s12 =	rddreg [dreg:$0x4];
	s4 =	simm.s32 $0x0;
	s14 =	sor.u32 s8, s7  }
0x6: {  	[smem:$0x7FF] =	sst s4;
	s7 =	sshrl.u32 s14, $0x3  }
0x7: {  	s3 =	rddreg [dreg:$0x5];
	_ =	strace $0x80000047;
	s5 =	sadd.s32 s5, s7  }
0x8: {  	[tilespmem:s4], [sflag:$0x1] =	stream.linear.gather [hbm4b:s5+s4], $0x80, $0x38;
	[tilespmem:$0x8100] =	vst v63  }
0x9: {  	s8 =	simm.s32 $0x1;
	s6 =	sadd.s32 s6, s7;
	s7 =	simm.s32 $0x80  }
0xa: {  	[tilespmem:s7], [sflag:$0x2] =	stream.linear.gather [hbm4b:s6+s4], $0x80, $0x38;
	[tilespmem:$0x8100] =	vst v63  }
0xb: {  	_ =	swait.ge [sflag:s8], $0x80  }
0xc: {  	[sflag:s8] =	ssyncset.done $0x0  }
0xd: {  	s9 =	simm.s32 $0x2;
	[sflag:s8] =	ssyncadd.s32 $0xFFFFFF80  }
0xe: {  	_ =	swait.ge [sflag:s9], $0x80  }
0xf: {  	[sflag:s9] =	ssyncset.done $0x0  }
0x10: {  	s10 =	simm.s32 $0x100;
	[sflag:s9] =	ssyncadd.s32 $0xFFFFFF80  }
0x11: {  	[tilespmem:s10], [sflag:$0x1] =	stream.indirect.gather [hbm4b:s1+s7], $0x80, s4, s7, $0xb8;
	[tilespmem:$0x8100] =	vst v63  }
0x12: {  	s11 =	simm.s32 $0x4100  }
0x13: {  	[tilespmem:s11], [sflag:$0x2] =	stream.indirect.gather [hbm4b:s2+s7], $0x80, s7, s7, $0xb8;
	[tilespmem:$0x8100] =	vst v63  }
0x14: {  	s14 =	sshll.u32 s14, $0x4;
	_ =	swait.ge [sflag:s8], $0x4000  }
0x15: {  	s15 =	ssub.s32 $0x2, s13;
	s14 =	sadd.s32 s14, s12;
	[sflag:s8] =	ssyncset.done $0x0  }
0x16: {  	s16 =	sshrl.u32 s15, $0x1;
	s12 =	sadd.s32 $0x2600, s14;
	[sflag:s8] =	ssyncadd.s32 $0xFFFFC000  }
0x17: {  	[hbm4b:s12+s4] =	stream.linear.scatter [tilespmem:s10], [sflag:$0x3], $0x4000, $0x38;
	[tilespmem:$0x8100] =	vst v63  }
0x18: {  	s15 =	ssub.s32 s15, s16;
	_ =	swait.ge [sflag:s9], $0x4000  }
0x19: {  	s13 =	simm.s32 $0x3;
	s15 =	smax.u32 s15, $0x1;
	[sflag:s9] =	ssyncset.done $0x0  }
0x1a: {  	s14 =	sadd.s32 $0x12600, s14;
	p0 =	sne.s32 s15, $0x1;
	[sflag:s9] =	ssyncadd.s32 $0xFFFFC000  }
0x1b: {  	[hbm4b:s14+s4] =	stream.linear.scatter [tilespmem:s11], [sflag:$0x3], $0x4000, $0x38;
	[tilespmem:$0x8100] =	vst v63  }
.Ltmp0:
0x1c: {  	_ =	swait.ge [sflag:s13], $0x4000;
	(pc) =	sbr.rel @!p0 .LBB2_2-.Ltmp0, $4  }
0x1d: {  	[sflag:s13] =	ssyncset.done $0x0  }
0x1e: {  	[sflag:s13] =	ssyncadd.s32 $0xFFFFC000  }
0x1f: {  	_ =	swait.ge [sflag:s13], $0x4000  }
0x20: {  	s15 =	sadd.s32 $0xFFFFFFFF, s15;
	[sflag:s13] =	ssyncset.done $0x0  }
.LBB2_1:
0x21: {  	p0 =	sne.s32 s15, $0x1;
	s15 =	sadd.s32 $0xFFFFFFFF, s15;
	[sflag:s13] =	ssyncadd.s32 $0xFFFFC000  }
0x22: {  	[tilespmem:s4], [sflag:$0x1] =	stream.linear.gather [hbm4b:s5+s4], $0x80, $0x38;
	[tilespmem:$0x8100] =	vst v63  }
0x23: {  	_ = 	snop  }
0x24: {  	[tilespmem:s7], [sflag:$0x2] =	stream.linear.gather [hbm4b:s6+s4], $0x80, $0x38;
	[tilespmem:$0x8100] =	vst v63  }
0x25: {  	_ =	swait.ge [sflag:s8], $0x80  }
0x26: {  	[sflag:s8] =	ssyncset.done $0x0  }
0x27: {  	[sflag:s8] =	ssyncadd.s32 $0xFFFFFF80  }
0x28: {  	_ =	swait.ge [sflag:s9], $0x80  }
0x29: {  	[sflag:s9] =	ssyncset.done $0x0  }
0x2a: {  	[sflag:s9] =	ssyncadd.s32 $0xFFFFFF80  }
0x2b: {  	[tilespmem:s10], [sflag:$0x1] =	stream.indirect.gather [hbm4b:s1+s7], $0x80, s4, s7, $0xb8;
	[tilespmem:$0x8100] =	vst v63  }
0x2c: {  	_ = 	snop  }
0x2d: {  	[tilespmem:s11], [sflag:$0x2] =	stream.indirect.gather [hbm4b:s2+s7], $0x80, s7, s7, $0xb8;
	[tilespmem:$0x8100] =	vst v63  }
0x2e: {  	_ =	swait.ge [sflag:s8], $0x4000  }
0x2f: {  	[sflag:s8] =	ssyncset.done $0x0  }
0x30: {  	[sflag:s8] =	ssyncadd.s32 $0xFFFFC000  }
0x31: {  	[hbm4b:s12+s4] =	stream.linear.scatter [tilespmem:s10], [sflag:$0x3], $0x4000, $0x38;
	[tilespmem:$0x8100] =	vst v63  }
0x32: {  	_ =	swait.ge [sflag:s9], $0x4000  }
0x33: {  	[sflag:s9] =	ssyncset.done $0x0  }
0x34: {  	[sflag:s9] =	ssyncadd.s32 $0xFFFFC000  }
0x35: {  	[hbm4b:s14+s4] =	stream.linear.scatter [tilespmem:s11], [sflag:$0x3], $0x4000, $0x38;
	[tilespmem:$0x8100] =	vst v63  }
.Ltmp1:
0x36: {  	_ =	swait.ge [sflag:s13], $0x4000;
	(pc) =	sbr.rel @p0 .LBB2_1-.Ltmp1, $4  }
0x37: {  	[sflag:s13] =	ssyncset.done $0x0  }
0x38: {  	[sflag:s13] =	ssyncadd.s32 $0xFFFFC000  }
0x39: {  	_ =	swait.ge [sflag:s13], $0x4000  }
0x3a: {  	[sflag:s13] =	ssyncset.done $0x0  }
.LBB2_2:
0x3b: {  	[sflag:s13] =	ssyncadd.s32 $0xFFFFC000  }
0x3c: {  	_ =	sfence.sel $0x180000  }
0x3d: {  	[bflag:$0x0] =	sbarrier.arrive $0xFFFF  }
0x3e: {  	p0 =	sne.s32 s0, $0x0;
	_ =	strace $0x90000047  }
0x3f: {  	s0 =	sadd.s32 @!p0 $0x100000, s3;
	[bflag:$0x2] =	sbarrier.arrive $0xFFFF  }
0x40: {  	[sflag:s0] =	ssyncadd.tile.s32 @!p0 $0x1;
	_ =	shalt  }
.Lfunc_end2:
_tile_overlayer_lowered:
.L_overlay_start_2:
0x41: {  	(tag) =	ssettag $0x2  }
0x42: {  	s0 =	rddreg [dreg:$0x0];
	s2 =	stileid.u32  }
0x43: {  	s1 =	rddreg [dreg:$0x1];
	p0 =	sne.s32 s2, $0x0  }
0x44: {  	s3 =	rddreg [dreg:$0x2];
	[bflag:$0x3] =	sbarrier.arrive $0xFFFF;
	s2 =	simm.s32 @!p0 $0x1C04  }
0x45: {  	[timem:s3], [sflag:s2] =	dma.local @!p0 [hbm:s0], s1  }
0x46: {  	s0 =	simm.s32 @!p0 $0x4  }
0x47: {  	_ =	swait.ge @!p0 [sflag:s0], s1  }
0x48: {  	s1 =	ssub.s32 @!p0 $0x0, s1;
	[sflag:s0] =	ssyncset.done @!p0 $0x0  }
0x49: {  	[sflag:s0] =	ssyncadd.s32 @!p0 s1  }
0x4a: {  	[bflag:$0x3] =	sbarrier.arrive $0xFFFF  }
0x4b: {  	_ =	shalt  }

</sc_bundles>
